<compile_context>
chip_gen: v7x
topology: tpu7x:2x2x1
jax: 0.10.2.dev20260603
libtpu: 0.0.44.dev20260713+nightly
codegen_flags: <defaults>
</compile_context>

<pallas_src>
import functools

import jax
import jax.numpy as jnp
from jax import lax
from jax.experimental import pallas as pl
from jax.experimental.pallas import tpu as pltpu
from jax.experimental.pallas import tpu_sc as plsc

_B = 16
_N = 3125
_M = 9375
_NNZ = 37500
_D = 128
_S = 3

_L = 16
_TPG = 2
_E = 18752
_MP = 9376
_STRIDE = 3200
_WROW = _S * _STRIDE


def _sc_body(rows_hbm, cols_hbm, vals_hbm, didx_hbm, w_hbm,
             rows_v, cols_v, vals_v, didx_v, w_v, sem):
    cid = lax.axis_index("c")
    sid = lax.axis_index("s")
    wid = sid * 2 + cid
    g = wid // _TPG

    h = wid % _TPG
    e0 = h * _E
    d0 = pltpu.async_copy(rows_hbm.at[wid], rows_v, sem)
    d1 = pltpu.async_copy(cols_hbm.at[wid], cols_v, sem)
    d2 = pltpu.async_copy(vals_hbm.at[wid], vals_v, sem)
    d3 = pltpu.async_copy(didx_hbm.at[g], didx_v, sem)

    zeros = jnp.zeros((_L,), jnp.float32)

    for row in range(_S):
        @plsc.parallel_loop(0, _STRIDE // _L, 1, unroll=8)
        def zero_body(j, row=row):
            w_v[row, pl.ds(j * _L, _L)] = zeros

    d0.wait()
    d1.wait()
    d2.wait()
    d3.wait()

    shift = lax.rem(g * _N, 8)

    @plsc.parallel_loop(0, _E // _L, 1, unroll=4)
    def edge_body(j):
        off = j * _L
        r = rows_v[pl.ds(off, _L)]
        c = cols_v[pl.ds(off, _L)]
        v = vals_v[pl.ds(off, _L)]
        s = plsc.load_gather(didx_v, [r])
        plsc.addupdate_scatter(w_v, [s, c + shift], v)

    pltpu.sync_copy(w_v, w_hbm.at[wid])


_sc_kernel = pl.kernel(
    _sc_body,
    out_type=jax.ShapeDtypeStruct((_B * _TPG, _S, _STRIDE), jnp.float32),
    mesh=plsc.VectorSubcoreMesh(core_axis_name="c", subcore_axis_name="s"),
    scratch_types=[
        pltpu.VMEM((_E,), jnp.int32),
        pltpu.VMEM((_E,), jnp.int32),
        pltpu.VMEM((_E,), jnp.float32),
        pltpu.VMEM((_MP,), jnp.int32),
        pltpu.VMEM((_S, _STRIDE), jnp.float32),
        pltpu.SemaphoreType.DMA,
    ],
    compiler_params=pltpu.CompilerParams(needs_layout_passes=False),
)


_SLAB = _STRIDE
_SLAB_LAST = 3128


def _slab_dma(x_hbm, xbuf, sem, b, buf):
    s8 = pl.multiple_of((b * _N // 8) * 8, 8)

    def _full():
        return pltpu.make_async_copy(
            x_hbm.at[pl.ds(s8, _SLAB), :], xbuf.at[buf], sem.at[buf])

    def _last():
        return pltpu.make_async_copy(
            x_hbm.at[pl.ds(s8, _SLAB_LAST), :],
            xbuf.at[buf, pl.ds(0, _SLAB_LAST)], sem.at[buf])

    return _full, _last


_NBUF = 4


def _start_slab(x_hbm, xbuf, sem, b, buf):
    full, last = _slab_dma(x_hbm, xbuf, sem, b, buf)

    @pl.when(b < _B - 1)
    def _():
        full().start()

    @pl.when(b == _B - 1)
    def _():
        last().start()


def _tc_body(wp_ref, x_hbm, out_ref, xbuf, sem):
    b = pl.program_id(0)
    cur = lax.rem(b, _NBUF)

    @pl.when(b == 0)
    def _():
        for k in range(_NBUF - 1):
            _start_slab(x_hbm, xbuf, sem, k, k)

    @pl.when(b + _NBUF - 1 < _B)
    def _():
        _start_slab(x_hbm, xbuf, sem, b + _NBUF - 1,
                    lax.rem(b + _NBUF - 1, _NBUF))

    full, last = _slab_dma(x_hbm, xbuf, sem, b, cur)

    @pl.when(b < _B - 1)
    def _():
        full().wait()

    @pl.when(b == _B - 1)
    def _():
        last().wait()

    w = wp_ref[0] + wp_ref[1]
    out_ref[0] = jnp.dot(w, xbuf[cur], preferred_element_type=jnp.float32)


_tc_matmul = pl.pallas_call(
    _tc_body,
    grid=(_B,),
    in_specs=[
        pl.BlockSpec((_TPG, _S, _STRIDE), lambda b: (b, 0, 0)),
        pl.BlockSpec(memory_space=pl.ANY),
    ],
    out_specs=pl.BlockSpec((1, _S, _D), lambda b: (b, 0, 0)),
    out_shape=jax.ShapeDtypeStruct((_B, _S, _D), jnp.float32),
    scratch_shapes=[
        pltpu.VMEM((_NBUF, _SLAB, _D), jnp.float32),
        pltpu.SemaphoreType.DMA((_NBUF,)),
    ],
)


def kernel(x, batch, batch_size, d_rows, d_cols, d_vals, d_index):
    pad_e = _TPG * _E - _NNZ
    rows_p = jnp.pad(d_rows, ((0, 0), (0, pad_e))).reshape(_B * _TPG, _E)
    cols_p = jnp.pad(d_cols, ((0, 0), (0, pad_e))).reshape(_B * _TPG, _E)
    vals_p = jnp.pad(d_vals, ((0, 0), (0, pad_e))).reshape(_B * _TPG, _E)
    didx_p = jnp.pad(d_index, ((0, 0), (0, _MP - _M)))

    wp = _sc_kernel(rows_p, cols_p, vals_p, didx_p)
    out3 = _tc_matmul(wp, x)
    return out3.reshape(_B, _S * _D)

# --- scband reference (transcript-rebuilt; emitter-appended) ---
"""Pipeline reference for scband-decom-layer-16449724743738 (READ-ONLY COPY).

The authoritative reference and input builder live on the scoring server;
editing this copy changes nothing except your own understanding.
"""

import jax, jax.numpy as jnp
import numpy as np

B = 16        # batch_size (num graphs)
N_PER = 3125  # nodes per graph
M = 9375      # framelet coefficient rows per graph (3 scales x N_PER)
NNZ = 37500   # nnz per sparse operator (4 per row)
D = 128       # hidden_dim
NUM_SCALES = 3


def setup_inputs(seed: int = 0) -> dict:
    key = jax.random.key(seed)
    ks = jax.random.split(key, 6)
    x = jax.random.normal(ks[0], (B * N_PER, D), dtype=jnp.float32)
    # batch index: sorted segment ids, exactly N_PER nodes per graph so x[batch==i]
    # matches the column dimension of each sparse operator
    batch = jnp.repeat(jnp.arange(B, dtype=jnp.int32), N_PER)
    # d_list[i][0] flattened to batched COO: rows/cols/vals
    d_rows = jax.random.randint(ks[1], (B, NNZ), 0, M, dtype=jnp.int32)
    d_cols = jax.random.randint(ks[2], (B, NNZ), 0, N_PER, dtype=jnp.int32)
    d_vals = jax.random.normal(ks[3], (B, NNZ), dtype=jnp.float32)
    # d_index[i][0]: maps each of the M coefficient rows to one of 3 framelet scales
    d_index = jnp.sort(jax.random.randint(ks[4], (B, M), 0, NUM_SCALES, dtype=jnp.int32), axis=1)
    return {"x": x, "batch": batch, "batch_size": B,
            "d_rows": d_rows, "d_cols": d_cols, "d_vals": d_vals, "d_index": d_index}


def reference(x, batch, batch_size, d_rows, d_cols, d_vals, d_index):
    # args.attention is False, so the attention branch (and linear_q/k/v) is not used.
    # Per graph i: coefs = spmm(D_i, x[batch == i]); x_dec = global_add_pool(coefs, d_index[i]);
    # x_pool = vstack of x_dec.flatten().
    bsz = d_rows.shape[0]  # setup_inputs always passes batch_size == d_rows.shape[0]
    xb = x.reshape(bsz, N_PER, D)  # batch is repeat(arange(B), N_PER)

    def per_graph(xg, rows, cols, vals, didx):
        # spmm: gather source node rows, scale by values, scatter-add into output rows
        gathered = vals[:, None] * jnp.take(xg, cols, axis=0)          # [NNZ, D]
        coefs = jax.ops.segment_sum(gathered, rows, num_segments=M)    # [M, D]
        # global_add_pool over framelet scales
        x_dec = jax.ops.segment_sum(coefs, didx, num_segments=NUM_SCALES)  # [3, D]
        return x_dec.reshape(-1)                                       # [3*D]

    x_pool = jax.vmap(per_graph)(xb, d_rows, d_cols, d_vals, d_index)  # [B, 3*D]
    return x_pool + jnp.zeros((), x_pool.dtype) * batch_size

if __name__ == "__main__":
    import jax
    _d = setup_inputs()
    print(jax.jit(kernel)(*tuple(_d.values())))

</pallas_src>

<mosaic_0001>
#map = affine_map<(d0, d1) -> (0, 0)>
#map1 = affine_map<(d0, d1) -> (0, 0, 0)>
module attributes {stable_mosaic.version = 14 : i64} {
  func.func @_sc_body(%arg0: i32, %arg1: i32, %arg2: memref<32x18752xi32, #tpu.memory_space<hbm>>, %arg3: memref<32x18752xi32, #tpu.memory_space<hbm>>, %arg4: memref<32x18752xf32, #tpu.memory_space<hbm>>, %arg5: memref<16x9376xi32, #tpu.memory_space<hbm>>, %arg6: memref<32x3x3200xf32, #tpu.memory_space<hbm>>, %arg7: memref<18752xi32, #tpu.memory_space<vmem>>, %arg8: memref<18752xi32, #tpu.memory_space<vmem>>, %arg9: memref<18752xf32, #tpu.memory_space<vmem>>, %arg10: memref<9376xi32, #tpu.memory_space<vmem>>, %arg11: memref<3x3200xf32, #tpu.memory_space<vmem>>, %arg12: memref<!tpu.dma_semaphore, #tpu.memory_space<semaphore_mem>>) attributes {dimension_semantics = [#tpu.dimension_semantics<core_parallel>, #tpu.dimension_semantics<subcore_parallel>], iteration_bounds = array<i64: 2, 16>, scalar_prefetch = 0 : i64, scratch_operands = 6 : i64, tpu.core_type = #tpu.core_type<sc_vector_subcore>, window_params = [{transform_indices = #map}, {transform_indices = #map}, {transform_indices = #map}, {transform_indices = #map}, {transform_indices = #map1}]} {
    %mul3A = arith.constant 2 : i32
    %mul3A_0 = arith.muli %arg1, %mul3A : i32
    %add3A = arith.addi %mul3A_0, %arg0 : i32
    %jit3A = arith.constant 2 : i32
    %div3A = arith.divsi %add3A, %jit3A : i32
    %sign3A = arith.constant 0 : i32
    %sign3A_1 = arith.cmpi sgt, %add3A, %sign3A : i32
    %sign3A_2 = arith.extui %sign3A_1 : i1 to i32
    %sign3A_3 = arith.constant 0 : i32
    %sign3A_4 = arith.cmpi slt, %add3A, %sign3A_3 : i32
    %sign3A_5 = arith.extui %sign3A_4 : i1 to i32
    %sign3A_6 = arith.subi %sign3A_2, %sign3A_5 : i32
    %sign3A_7 = arith.constant 0 : i32
    %sign3A_8 = arith.cmpi sgt, %jit3A, %sign3A_7 : i32
    %sign3A_9 = arith.extui %sign3A_8 : i1 to i32
    %sign3A_10 = arith.constant 0 : i32
    %sign3A_11 = arith.cmpi slt, %jit3A, %sign3A_10 : i32
    %sign3A_12 = arith.extui %sign3A_11 : i1 to i32
    %sign3A_13 = arith.subi %sign3A_9, %sign3A_12 : i32
    %ne3A = arith.cmpi ne, %sign3A_6, %sign3A_13 : i32
    %rem3A = arith.remsi %add3A, %jit3A : i32
    %ne3A_14 = arith.constant 0 : i32
    %ne3A_15 = arith.cmpi ne, %rem3A, %ne3A_14 : i32
    %and3A = arith.andi %ne3A, %ne3A_15 : i1
    %sub3A = arith.constant 1 : i32
    %sub3A_16 = arith.subi %div3A, %sub3A : i32
    %select_n3A = arith.select %and3A, %sub3A_16, %div3A : i32
    %jit3A_17 = arith.constant 2 : i32
    %eq3A = arith.constant 0 : i32
    %eq3A_18 = arith.cmpi eq, %jit3A_17, %eq3A : i32
    %jit3A_19 = arith.constant 1 : i32
    %select_n3A_20 = arith.select %eq3A_18, %jit3A_19, %jit3A_17 : i32
    %rem3A_21 = arith.remsi %add3A, %select_n3A_20 : i32
    %ne3A_22 = arith.constant 0 : i32
    %ne3A_23 = arith.cmpi ne, %rem3A_21, %ne3A_22 : i32
    %lt3A = arith.constant 0 : i32
    %lt3A_24 = arith.cmpi slt, %rem3A_21, %lt3A : i32
    %lt3A_25 = arith.constant 0 : i32
    %lt3A_26 = arith.cmpi slt, %select_n3A_20, %lt3A_25 : i32
    %ne3A_27 = arith.xori %lt3A_24, %lt3A_26 : i1
    %and3A_28 = arith.andi %ne3A_27, %ne3A_23 : i1
    %add3A_29 = arith.addi %rem3A_21, %select_n3A_20 : i32
    %select_n3A_30 = arith.select %and3A_28, %add3A_29, %rem3A_21 : i32
    %mul3A_31 = arith.constant 18752 : i32
    %mul3A_32 = arith.muli %select_n3A_30, %mul3A_31 : i32
    %dma_start3A = arith.constant 0 : i32
    %dma_start3A_33 = tpu.memref_slice %arg2[%add3A, %dma_start3A] : memref<32x18752xi32, #tpu.memory_space<hbm>> -> memref<1x18752xi32, #tpu.memory_space<hbm>>
    %dma_start3A_34 = tpu.memref_squeeze %dma_start3A_33 : memref<1x18752xi32, #tpu.memory_space<hbm>> -> memref<18752xi32, #tpu.memory_space<hbm>>
    %dma_start3A_35 = arith.constant 0 : i32
    %dma_start3A_36 = tpu.memref_slice %arg2[%add3A, %dma_start3A_35] : memref<32x18752xi32, #tpu.memory_space<hbm>> -> memref<1x18752xi32, #tpu.memory_space<hbm>>
    %dma_start3A_37 = tpu.memref_squeeze %dma_start3A_36 : memref<1x18752xi32, #tpu.memory_space<hbm>> -> memref<18752xi32, #tpu.memory_space<hbm>>
    tpu.enqueue_dma source(%dma_start3A_37 : memref<18752xi32, #tpu.memory_space<hbm>>) target(%arg7 : memref<18752xi32, #tpu.memory_space<vmem>>) target_semaphore(%arg12 : memref<!tpu.dma_semaphore, #tpu.memory_space<semaphore_mem>>)
    %dma_start3A_38 = arith.constant 0 : i32
    %dma_start3A_39 = tpu.memref_slice %arg3[%add3A, %dma_start3A_38] : memref<32x18752xi32, #tpu.memory_space<hbm>> -> memref<1x18752xi32, #tpu.memory_space<hbm>>
    %dma_start3A_40 = tpu.memref_squeeze %dma_start3A_39 : memref<1x18752xi32, #tpu.memory_space<hbm>> -> memref<18752xi32, #tpu.memory_space<hbm>>
    %dma_start3A_41 = arith.constant 0 : i32
    %dma_start3A_42 = tpu.memref_slice %arg3[%add3A, %dma_start3A_41] : memref<32x18752xi32, #tpu.memory_space<hbm>> -> memref<1x18752xi32, #tpu.memory_space<hbm>>
    %dma_start3A_43 = tpu.memref_squeeze %dma_start3A_42 : memref<1x18752xi32, #tpu.memory_space<hbm>> -> memref<18752xi32, #tpu.memory_space<hbm>>
    tpu.enqueue_dma source(%dma_start3A_43 : memref<18752xi32, #tpu.memory_space<hbm>>) target(%arg8 : memref<18752xi32, #tpu.memory_space<vmem>>) target_semaphore(%arg12 : memref<!tpu.dma_semaphore, #tpu.memory_space<semaphore_mem>>)
    %dma_start3A_44 = arith.constant 0 : i32
    %dma_start3A_45 = tpu.memref_slice %arg4[%add3A, %dma_start3A_44] : memref<32x18752xf32, #tpu.memory_space<hbm>> -> memref<1x18752xf32, #tpu.memory_space<hbm>>
    %dma_start3A_46 = tpu.memref_squeeze %dma_start3A_45 : memref<1x18752xf32, #tpu.memory_space<hbm>> -> memref<18752xf32, #tpu.memory_space<hbm>>
    %dma_start3A_47 = arith.constant 0 : i32
    %dma_start3A_48 = tpu.memref_slice %arg4[%add3A, %dma_start3A_47] : memref<32x18752xf32, #tpu.memory_space<hbm>> -> memref<1x18752xf32, #tpu.memory_space<hbm>>
    %dma_start3A_49 = tpu.memref_squeeze %dma_start3A_48 : memref<1x18752xf32, #tpu.memory_space<hbm>> -> memref<18752xf32, #tpu.memory_space<hbm>>
    tpu.enqueue_dma source(%dma_start3A_49 : memref<18752xf32, #tpu.memory_space<hbm>>) target(%arg9 : memref<18752xf32, #tpu.memory_space<vmem>>) target_semaphore(%arg12 : memref<!tpu.dma_semaphore, #tpu.memory_space<semaphore_mem>>)
    %dma_start3A_50 = arith.constant 0 : i32
    %dma_start3A_51 = tpu.memref_slice %arg5[%select_n3A, %dma_start3A_50] : memref<16x9376xi32, #tpu.memory_space<hbm>> -> memref<1x9376xi32, #tpu.memory_space<hbm>>
    %dma_start3A_52 = tpu.memref_squeeze %dma_start3A_51 : memref<1x9376xi32, #tpu.memory_space<hbm>> -> memref<9376xi32, #tpu.memory_space<hbm>>
    %dma_start3A_53 = arith.constant 0 : i32
    %dma_start3A_54 = tpu.memref_slice %arg5[%select_n3A, %dma_start3A_53] : memref<16x9376xi32, #tpu.memory_space<hbm>> -> memref<1x9376xi32, #tpu.memory_space<hbm>>
    %dma_start3A_55 = tpu.memref_squeeze %dma_start3A_54 : memref<1x9376xi32, #tpu.memory_space<hbm>> -> memref<9376xi32, #tpu.memory_space<hbm>>
    tpu.enqueue_dma source(%dma_start3A_55 : memref<9376xi32, #tpu.memory_space<hbm>>) target(%arg10 : memref<9376xi32, #tpu.memory_space<vmem>>) target_semaphore(%arg12 : memref<!tpu.dma_semaphore, #tpu.memory_space<semaphore_mem>>)
    %broadcast_in_dim3A = arith.constant 0.000000e+00 : f32
    %broadcast_in_dim3A_56 = vector.broadcast %broadcast_in_dim3A : f32 to vector<16xf32>
    %parallel_loop3A = arith.constant 0 : i32
    %parallel_loop3A_57 = arith.constant 200 : i32
    %parallel_loop3A_58 = arith.constant 1 : i32
    scf.for %parallel_loop3A_95 = %parallel_loop3A to %parallel_loop3A_57 step %parallel_loop3A_58  : i32 {
      %parallel_loop3A_96 = arith.constant 16 : i32
      %parallel_loop3A_97 = arith.muli %parallel_loop3A_95, %parallel_loop3A_96 : i32
      %parallel_loop3A_98 = arith.constant 0 : i32
      %parallel_loop3A_99 = arith.index_cast %parallel_loop3A_98 : i32 to index
      %parallel_loop3A_100 = arith.index_cast %parallel_loop3A_97 : i32 to index
      %parallel_loop3A_101 = tpu.vector_load %arg11[%parallel_loop3A_99, %parallel_loop3A_100] {strides = array<i32>} : memref<3x3200xf32, #tpu.memory_space<vmem>>, vector<16xf32>,
      tpu.vector_store %arg11[%parallel_loop3A_99, %parallel_loop3A_100], %broadcast_in_dim3A_56 {strides = array<i32>} : memref<3x3200xf32, #tpu.memory_space<vmem>>, vector<16xf32>,
    } {sc.loop_unroll_factor = 8 : i64, sc.parallel_access}
    %parallel_loop3A_59 = arith.constant 0 : i32
    %parallel_loop3A_60 = arith.constant 200 : i32
    %parallel_loop3A_61 = arith.constant 1 : i32
    scf.for %parallel_loop3A_95 = %parallel_loop3A_59 to %parallel_loop3A_60 step %parallel_loop3A_61  : i32 {
      %parallel_loop3A_96 = arith.constant 16 : i32
      %parallel_loop3A_97 = arith.muli %parallel_loop3A_95, %parallel_loop3A_96 : i32
      %parallel_loop3A_98 = arith.constant 1 : i32
      %parallel_loop3A_99 = arith.index_cast %parallel_loop3A_98 : i32 to index
      %parallel_loop3A_100 = arith.index_cast %parallel_loop3A_97 : i32 to index
      %parallel_loop3A_101 = tpu.vector_load %arg11[%parallel_loop3A_99, %parallel_loop3A_100] {strides = array<i32>} : memref<3x3200xf32, #tpu.memory_space<vmem>>, vector<16xf32>,
      tpu.vector_store %arg11[%parallel_loop3A_99, %parallel_loop3A_100], %broadcast_in_dim3A_56 {strides = array<i32>} : memref<3x3200xf32, #tpu.memory_space<vmem>>, vector<16xf32>,
    } {sc.loop_unroll_factor = 8 : i64, sc.parallel_access}
    %parallel_loop3A_62 = arith.constant 0 : i32
    %parallel_loop3A_63 = arith.constant 200 : i32
    %parallel_loop3A_64 = arith.constant 1 : i32
    scf.for %parallel_loop3A_95 = %parallel_loop3A_62 to %parallel_loop3A_63 step %parallel_loop3A_64  : i32 {
      %parallel_loop3A_96 = arith.constant 16 : i32
      %parallel_loop3A_97 = arith.muli %parallel_loop3A_95, %parallel_loop3A_96 : i32
      %parallel_loop3A_98 = arith.constant 2 : i32
      %parallel_loop3A_99 = arith.index_cast %parallel_loop3A_98 : i32 to index
      %parallel_loop3A_100 = arith.index_cast %parallel_loop3A_97 : i32 to index
      %parallel_loop3A_101 = tpu.vector_load %arg11[%parallel_loop3A_99, %parallel_loop3A_100] {strides = array<i32>} : memref<3x3200xf32, #tpu.memory_space<vmem>>, vector<16xf32>,
      tpu.vector_store %arg11[%parallel_loop3A_99, %parallel_loop3A_100], %broadcast_in_dim3A_56 {strides = array<i32>} : memref<3x3200xf32, #tpu.memory_space<vmem>>, vector<16xf32>,
    } {sc.loop_unroll_factor = 8 : i64, sc.parallel_access}
    %dma_wait3A = arith.constant 0 : i32
    %dma_wait3A_65 = tpu.memref_slice %arg2[%add3A, %dma_wait3A] : memref<32x18752xi32, #tpu.memory_space<hbm>> -> memref<1x18752xi32, #tpu.memory_space<hbm>>
    %dma_wait3A_66 = tpu.memref_squeeze %dma_wait3A_65 : memref<1x18752xi32, #tpu.memory_space<hbm>> -> memref<18752xi32, #tpu.memory_space<hbm>>
    %dma_wait3A_67 = arith.constant 0 : i32
    %dma_wait3A_68 = tpu.memref_slice %arg2[%add3A, %dma_wait3A_67] : memref<32x18752xi32, #tpu.memory_space<hbm>> -> memref<1x18752xi32, #tpu.memory_space<hbm>>
    %dma_wait3A_69 = tpu.memref_squeeze %dma_wait3A_68 : memref<1x18752xi32, #tpu.memory_space<hbm>> -> memref<18752xi32, #tpu.memory_space<hbm>>
    tpu.wait_dma2 semaphore(%arg12 : memref<!tpu.dma_semaphore, #tpu.memory_space<semaphore_mem>>) src(%dma_wait3A_69 : memref<18752xi32, #tpu.memory_space<hbm>>) dst(%arg7 : memref<18752xi32, #tpu.memory_space<vmem>>)
    %dma_wait3A_70 = arith.constant 0 : i32
    %dma_wait3A_71 = tpu.memref_slice %arg3[%add3A, %dma_wait3A_70] : memref<32x18752xi32, #tpu.memory_space<hbm>> -> memref<1x18752xi32, #tpu.memory_space<hbm>>
    %dma_wait3A_72 = tpu.memref_squeeze %dma_wait3A_71 : memref<1x18752xi32, #tpu.memory_space<hbm>> -> memref<18752xi32, #tpu.memory_space<hbm>>
    %dma_wait3A_73 = arith.constant 0 : i32
    %dma_wait3A_74 = tpu.memref_slice %arg3[%add3A, %dma_wait3A_73] : memref<32x18752xi32, #tpu.memory_space<hbm>> -> memref<1x18752xi32, #tpu.memory_space<hbm>>
    %dma_wait3A_75 = tpu.memref_squeeze %dma_wait3A_74 : memref<1x18752xi32, #tpu.memory_space<hbm>> -> memref<18752xi32, #tpu.memory_space<hbm>>
    tpu.wait_dma2 semaphore(%arg12 : memref<!tpu.dma_semaphore, #tpu.memory_space<semaphore_mem>>) src(%dma_wait3A_75 : memref<18752xi32, #tpu.memory_space<hbm>>) dst(%arg8 : memref<18752xi32, #tpu.memory_space<vmem>>)
    %dma_wait3A_76 = arith.constant 0 : i32
    %dma_wait3A_77 = tpu.memref_slice %arg4[%add3A, %dma_wait3A_76] : memref<32x18752xf32, #tpu.memory_space<hbm>> -> memref<1x18752xf32, #tpu.memory_space<hbm>>
    %dma_wait3A_78 = tpu.memref_squeeze %dma_wait3A_77 : memref<1x18752xf32, #tpu.memory_space<hbm>> -> memref<18752xf32, #tpu.memory_space<hbm>>
    %dma_wait3A_79 = arith.constant 0 : i32
    %dma_wait3A_80 = tpu.memref_slice %arg4[%add3A, %dma_wait3A_79] : memref<32x18752xf32, #tpu.memory_space<hbm>> -> memref<1x18752xf32, #tpu.memory_space<hbm>>
    %dma_wait3A_81 = tpu.memref_squeeze %dma_wait3A_80 : memref<1x18752xf32, #tpu.memory_space<hbm>> -> memref<18752xf32, #tpu.memory_space<hbm>>
    tpu.wait_dma2 semaphore(%arg12 : memref<!tpu.dma_semaphore, #tpu.memory_space<semaphore_mem>>) src(%dma_wait3A_81 : memref<18752xf32, #tpu.memory_space<hbm>>) dst(%arg9 : memref<18752xf32, #tpu.memory_space<vmem>>)
    %dma_wait3A_82 = arith.constant 0 : i32
    %dma_wait3A_83 = tpu.memref_slice %arg5[%select_n3A, %dma_wait3A_82] : memref<16x9376xi32, #tpu.memory_space<hbm>> -> memref<1x9376xi32, #tpu.memory_space<hbm>>
    %dma_wait3A_84 = tpu.memref_squeeze %dma_wait3A_83 : memref<1x9376xi32, #tpu.memory_space<hbm>> -> memref<9376xi32, #tpu.memory_space<hbm>>
    %dma_wait3A_85 = arith.constant 0 : i32
    %dma_wait3A_86 = tpu.memref_slice %arg5[%select_n3A, %dma_wait3A_85] : memref<16x9376xi32, #tpu.memory_space<hbm>> -> memref<1x9376xi32, #tpu.memory_space<hbm>>
    %dma_wait3A_87 = tpu.memref_squeeze %dma_wait3A_86 : memref<1x9376xi32, #tpu.memory_space<hbm>> -> memref<9376xi32, #tpu.memory_space<hbm>>
    tpu.wait_dma2 semaphore(%arg12 : memref<!tpu.dma_semaphore, #tpu.memory_space<semaphore_mem>>) src(%dma_wait3A_87 : memref<9376xi32, #tpu.memory_space<hbm>>) dst(%arg10 : memref<9376xi32, #tpu.memory_space<vmem>>)
    %mul3A_88 = arith.constant 3125 : i32
    %mul3A_89 = arith.muli %select_n3A, %mul3A_88 : i32
    %rem3A_90 = arith.constant 8 : i32
    %rem3A_91 = arith.remsi %mul3A_89, %rem3A_90 : i32
    %parallel_loop3A_92 = arith.constant 0 : i32
    %parallel_loop3A_93 = arith.constant 1172 : i32
    %parallel_loop3A_94 = arith.constant 1 : i32
    scf.for %parallel_loop3A_95 = %parallel_loop3A_92 to %parallel_loop3A_93 step %parallel_loop3A_94  : i32 {
      %parallel_loop3A_96 = arith.constant 16 : i32
      %parallel_loop3A_97 = arith.muli %parallel_loop3A_95, %parallel_loop3A_96 : i32
      %parallel_loop3A_98 = arith.index_cast %parallel_loop3A_97 : i32 to index
      %parallel_loop3A_99 = tpu.vector_load %arg7[%parallel_loop3A_98] {strides = array<i32>} : memref<18752xi32, #tpu.memory_space<vmem>>, vector<16xi32>,
      %parallel_loop3A_100 = arith.index_cast %parallel_loop3A_97 : i32 to index
      %parallel_loop3A_101 = tpu.vector_load %arg8[%parallel_loop3A_100] {strides = array<i32>} : memref<18752xi32, #tpu.memory_space<vmem>>, vector<16xi32>,
      %parallel_loop3A_102 = arith.index_cast %parallel_loop3A_97 : i32 to index
      %parallel_loop3A_103 = tpu.vector_load %arg9[%parallel_loop3A_102] {strides = array<i32>} : memref<18752xf32, #tpu.memory_space<vmem>>, vector<16xf32>,
      %parallel_loop3A_104 = tpu.vector_load_idx %arg10[%parallel_loop3A_99] : memref<9376xi32, #tpu.memory_space<vmem>>[vector<16xi32>], vector<16xi32>,
      %parallel_loop3A_105 = vector.broadcast %rem3A_91 : i32 to vector<16xi32>
      %parallel_loop3A_106 = arith.addi %parallel_loop3A_101, %parallel_loop3A_105 : vector<16xi32>
      tpu.vector_store_idx %arg11[%parallel_loop3A_104, %parallel_loop3A_106], %parallel_loop3A_103 {add = true} : memref<3x3200xf32, #tpu.memory_space<vmem>>[vector<16xi32>, vector<16xi32>], vector<16xf32>,
    } {sc.loop_unroll_factor = 4 : i64, sc.parallel_access}
    "tpu.region"() ({
      %run_scoped3A = tpu.sem_alloc : memref<!tpu.dma_semaphore, #tpu.memory_space<semaphore_mem>>
      %dma_start3A_95 = arith.constant 0 : i32
      %dma_start3A_96 = arith.constant 0 : i32
      %dma_start3A_97 = tpu.memref_slice %arg6[%add3A, %dma_start3A_95, %dma_start3A_96] : memref<32x3x3200xf32, #tpu.memory_space<hbm>> -> memref<1x3x3200xf32, #tpu.memory_space<hbm>>
      %dma_start3A_98 = tpu.memref_squeeze %dma_start3A_97 : memref<1x3x3200xf32, #tpu.memory_space<hbm>> -> memref<3x3200xf32, #tpu.memory_space<hbm>>
      %dma_start3A_99 = arith.constant 0 : i32
      %dma_start3A_100 = arith.constant 0 : i32
      %dma_start3A_101 = tpu.memref_slice %arg6[%add3A, %dma_start3A_99, %dma_start3A_100] : memref<32x3x3200xf32, #tpu.memory_space<hbm>> -> memref<1x3x3200xf32, #tpu.memory_space<hbm>>
      %dma_start3A_102 = tpu.memref_squeeze %dma_start3A_101 : memref<1x3x3200xf32, #tpu.memory_space<hbm>> -> memref<3x3200xf32, #tpu.memory_space<hbm>>
      tpu.enqueue_dma source(%arg11 : memref<3x3200xf32, #tpu.memory_space<vmem>>) target(%dma_start3A_102 : memref<3x3200xf32, #tpu.memory_space<hbm>>) target_semaphore(%run_scoped3A : memref<!tpu.dma_semaphore, #tpu.memory_space<semaphore_mem>>)
      %dma_wait3A_103 = arith.constant 0 : i32
      %dma_wait3A_104 = arith.constant 0 : i32
      %dma_wait3A_105 = tpu.memref_slice %arg6[%add3A, %dma_wait3A_103, %dma_wait3A_104] : memref<32x3x3200xf32, #tpu.memory_space<hbm>> -> memref<1x3x3200xf32, #tpu.memory_space<hbm>>
      %dma_wait3A_106 = tpu.memref_squeeze %dma_wait3A_105 : memref<1x3x3200xf32, #tpu.memory_space<hbm>> -> memref<3x3200xf32, #tpu.memory_space<hbm>>
      %dma_wait3A_107 = arith.constant 0 : i32
      %dma_wait3A_108 = arith.constant 0 : i32
      %dma_wait3A_109 = tpu.memref_slice %arg6[%add3A, %dma_wait3A_107, %dma_wait3A_108] : memref<32x3x3200xf32, #tpu.memory_space<hbm>> -> memref<1x3x3200xf32, #tpu.memory_space<hbm>>
      %dma_wait3A_110 = tpu.memref_squeeze %dma_wait3A_109 : memref<1x3x3200xf32, #tpu.memory_space<hbm>> -> memref<3x3200xf32, #tpu.memory_space<hbm>>
      tpu.wait_dma2 semaphore(%run_scoped3A : memref<!tpu.dma_semaphore, #tpu.memory_space<semaphore_mem>>) src(%arg11 : memref<3x3200xf32, #tpu.memory_space<vmem>>) dst(%dma_wait3A_110 : memref<3x3200xf32, #tpu.memory_space<hbm>>)
      tpu.yield
    }) : () -> ()
    return
  }
}

module attributes {stable_mosaic.version = 14 : i64} {
  func.func @_tc_body(%arg0: i32, %arg1: memref<2x3x3200xf32, #tpu.memory_space<vmem>>, %arg2: memref<50000x128xf32, #tpu.memory_space<any>>, %arg3: memref<1x3x128xf32, #tpu.memory_space<vmem>>, %arg4: memref<4x3200x128xf32, #tpu.memory_space<vmem>>, %arg5: memref<4x!tpu.dma_semaphore, #tpu.memory_space<semaphore_mem>>) attributes {dimension_semantics = [#tpu.dimension_semantics<arbitrary>], iteration_bounds = array<i64: 16>, scalar_prefetch = 0 : i64, scratch_operands = 2 : i64, tpu.core_type = #tpu.core_type<tc>, window_params = [{transform_indices = @transform_0, window_bounds = array<i64: 2, 3, 3200>}, {}, {transform_indices = @transform_2, window_bounds = array<i64: 1, 3, 128>}]} {
    %rem3A = arith.constant 4 : i32
    %rem3A_0 = arith.remsi %arg0, %rem3A : i32
    %eq3A = arith.constant 0 : i32
    %eq3A_1 = arith.cmpi eq, %arg0, %eq3A : i32
    %convert_element_type3A = arith.extui %eq3A_1 : i1 to i32
    %cond3A = arith.constant 0 : i32
    %cond3A_2 = arith.cmpi ne, %convert_element_type3A, %cond3A : i32
    scf.if %cond3A_2 {
      %multiple_of3A_61 = arith.constant 0 : i32
      %multiple_of3A_62 = tpu.assume_multiple %multiple_of3A_61, 8 : i32
      %dma_start3A = arith.constant 0 : i32
      %dma_start3A_63 = arith.constant 0 : i32
      %dma_start3A_64 = tpu.memref_slice %arg5[%dma_start3A_63] : memref<4x!tpu.dma_semaphore, #tpu.memory_space<semaphore_mem>> -> memref<1x!tpu.dma_semaphore, #tpu.memory_space<semaphore_mem>>
      %dma_start3A_65 = tpu.memref_squeeze %dma_start3A_64 : memref<1x!tpu.dma_semaphore, #tpu.memory_space<semaphore_mem>> -> memref<!tpu.dma_semaphore, #tpu.memory_space<semaphore_mem>>
      %dma_start3A_66 = arith.constant 0 : i32
      %dma_start3A_67 = arith.constant 0 : i32
      %dma_start3A_68 = tpu.memref_slice %arg4[%dma_start3A, %dma_start3A_66, %dma_start3A_67] : memref<4x3200x128xf32, #tpu.memory_space<vmem>> -> memref<1x3200x128xf32, #tpu.memory_space<vmem>>
      %dma_start3A_69 = tpu.memref_squeeze %dma_start3A_68 : memref<1x3200x128xf32, #tpu.memory_space<vmem>> -> memref<3200x128xf32, #tpu.memory_space<vmem>>
      %dma_start3A_70 = arith.constant 0 : i32
      %dma_start3A_71 = tpu.memref_slice %arg2[%multiple_of3A_62, %dma_start3A_70] : memref<50000x128xf32, #tpu.memory_space<any>> -> memref<3200x128xf32, #tpu.memory_space<any>>
      tpu.enqueue_dma source(%dma_start3A_71 : memref<3200x128xf32, #tpu.memory_space<any>>) target(%dma_start3A_69 : memref<3200x128xf32, #tpu.memory_space<vmem>>) target_semaphore(%dma_start3A_65 : memref<!tpu.dma_semaphore, #tpu.memory_space<semaphore_mem>>)
      %multiple_of3A_72 = arith.constant 3120 : i32
      %multiple_of3A_73 = tpu.assume_multiple %multiple_of3A_72, 8 : i32
      %dma_start3A_74 = arith.constant 1 : i32
      %dma_start3A_75 = arith.constant 1 : i32
      %dma_start3A_76 = tpu.memref_slice %arg5[%dma_start3A_75] : memref<4x!tpu.dma_semaphore, #tpu.memory_space<semaphore_mem>> -> memref<1x!tpu.dma_semaphore, #tpu.memory_space<semaphore_mem>>
      %dma_start3A_77 = tpu.memref_squeeze %dma_start3A_76 : memref<1x!tpu.dma_semaphore, #tpu.memory_space<semaphore_mem>> -> memref<!tpu.dma_semaphore, #tpu.memory_space<semaphore_mem>>
      %dma_start3A_78 = arith.constant 0 : i32
      %dma_start3A_79 = arith.constant 0 : i32
      %dma_start3A_80 = tpu.memref_slice %arg4[%dma_start3A_74, %dma_start3A_78, %dma_start3A_79] : memref<4x3200x128xf32, #tpu.memory_space<vmem>> -> memref<1x3200x128xf32, #tpu.memory_space<vmem>>
      %dma_start3A_81 = tpu.memref_squeeze %dma_start3A_80 : memref<1x3200x128xf32, #tpu.memory_space<vmem>> -> memref<3200x128xf32, #tpu.memory_space<vmem>>
      %dma_start3A_82 = arith.constant 0 : i32
      %dma_start3A_83 = tpu.memref_slice %arg2[%multiple_of3A_73, %dma_start3A_82] : memref<50000x128xf32, #tpu.memory_space<any>> -> memref<3200x128xf32, #tpu.memory_space<any>>
      tpu.enqueue_dma source(%dma_start3A_83 : memref<3200x128xf32, #tpu.memory_space<any>>) target(%dma_start3A_81 : memref<3200x128xf32, #tpu.memory_space<vmem>>) target_semaphore(%dma_start3A_77 : memref<!tpu.dma_semaphore, #tpu.memory_space<semaphore_mem>>)
      %multiple_of3A_84 = arith.constant 6248 : i32
      %multiple_of3A_85 = tpu.assume_multiple %multiple_of3A_84, 8 : i32
      %dma_start3A_86 = arith.constant 2 : i32
      %dma_start3A_87 = arith.constant 2 : i32
      %dma_start3A_88 = tpu.memref_slice %arg5[%dma_start3A_87] : memref<4x!tpu.dma_semaphore, #tpu.memory_space<semaphore_mem>> -> memref<1x!tpu.dma_semaphore, #tpu.memory_space<semaphore_mem>>
      %dma_start3A_89 = tpu.memref_squeeze %dma_start3A_88 : memref<1x!tpu.dma_semaphore, #tpu.memory_space<semaphore_mem>> -> memref<!tpu.dma_semaphore, #tpu.memory_space<semaphore_mem>>
      %dma_start3A_90 = arith.constant 0 : i32
      %dma_start3A_91 = arith.constant 0 : i32
      %dma_start3A_92 = tpu.memref_slice %arg4[%dma_start3A_86, %dma_start3A_90, %dma_start3A_91] : memref<4x3200x128xf32, #tpu.memory_space<vmem>> -> memref<1x3200x128xf32, #tpu.memory_space<vmem>>
      %dma_start3A_93 = tpu.memref_squeeze %dma_start3A_92 : memref<1x3200x128xf32, #tpu.memory_space<vmem>> -> memref<3200x128xf32, #tpu.memory_space<vmem>>
      %dma_start3A_94 = arith.constant 0 : i32
      %dma_start3A_95 = tpu.memref_slice %arg2[%multiple_of3A_85, %dma_start3A_94] : memref<50000x128xf32, #tpu.memory_space<any>> -> memref<3200x128xf32, #tpu.memory_space<any>>
      tpu.enqueue_dma source(%dma_start3A_95 : memref<3200x128xf32, #tpu.memory_space<any>>) target(%dma_start3A_93 : memref<3200x128xf32, #tpu.memory_space<vmem>>) target_semaphore(%dma_start3A_89 : memref<!tpu.dma_semaphore, #tpu.memory_space<semaphore_mem>>)
    } else {
    }
    %add3A = arith.constant 4 : i32
    %add3A_3 = arith.addi %arg0, %add3A : i32
    %sub3A = arith.constant 1 : i32
    %sub3A_4 = arith.subi %add3A_3, %sub3A : i32
    %lt3A = arith.constant 16 : i32
    %lt3A_5 = arith.cmpi slt, %sub3A_4, %lt3A : i32
    %convert_element_type3A_6 = arith.extui %lt3A_5 : i1 to i32
    %cond3A_7 = arith.constant 0 : i32
    %cond3A_8 = arith.cmpi ne, %convert_element_type3A_6, %cond3A_7 : i32
    scf.if %cond3A_8 {
      %add3A_61 = arith.constant 4 : i32
      %add3A_62 = arith.addi %arg0, %add3A_61 : i32
      %sub3A_63 = arith.constant 1 : i32
      %sub3A_64 = arith.subi %add3A_62, %sub3A_63 : i32
      %add3A_65 = arith.constant 4 : i32
      %add3A_66 = arith.addi %arg0, %add3A_65 : i32
      %sub3A_67 = arith.constant 1 : i32
      %sub3A_68 = arith.subi %add3A_66, %sub3A_67 : i32
      %rem3A_69 = arith.constant 4 : i32
      %rem3A_70 = arith.remsi %sub3A_68, %rem3A_69 : i32
      %mul3A_71 = arith.constant 3125 : i32
      %mul3A_72 = arith.muli %sub3A_64, %mul3A_71 : i32
      %jit3A_73 = arith.constant 8 : i32
      %div3A_74 = arith.divsi %mul3A_72, %jit3A_73 : i32
      %sign3A_75 = arith.constant 0 : i32
      %sign3A_76 = arith.cmpi sgt, %mul3A_72, %sign3A_75 : i32
      %sign3A_77 = arith.extui %sign3A_76 : i1 to i32
      %sign3A_78 = arith.constant 0 : i32
      %sign3A_79 = arith.cmpi slt, %mul3A_72, %sign3A_78 : i32
      %sign3A_80 = arith.extui %sign3A_79 : i1 to i32
      %sign3A_81 = arith.subi %sign3A_77, %sign3A_80 : i32
      %sign3A_82 = arith.constant 0 : i32
      %sign3A_83 = arith.cmpi sgt, %jit3A_73, %sign3A_82 : i32
      %sign3A_84 = arith.extui %sign3A_83 : i1 to i32
      %sign3A_85 = arith.constant 0 : i32
      %sign3A_86 = arith.cmpi slt, %jit3A_73, %sign3A_85 : i32
      %sign3A_87 = arith.extui %sign3A_86 : i1 to i32
      %sign3A_88 = arith.subi %sign3A_84, %sign3A_87 : i32
      %ne3A_89 = arith.cmpi ne, %sign3A_81, %sign3A_88 : i32
      %rem3A_90 = arith.remsi %mul3A_72, %jit3A_73 : i32
      %ne3A_91 = arith.constant 0 : i32
      %ne3A_92 = arith.cmpi ne, %rem3A_90, %ne3A_91 : i32
      %and3A_93 = arith.andi %ne3A_89, %ne3A_92 : i1
      %sub3A_94 = arith.constant 1 : i32
      %sub3A_95 = arith.subi %div3A_74, %sub3A_94 : i32
      %select_n3A_96 = arith.select %and3A_93, %sub3A_95, %div3A_74 : i32
      %mul3A_97 = arith.constant 8 : i32
      %mul3A_98 = arith.muli %select_n3A_96, %mul3A_97 : i32
      %multiple_of3A_99 = tpu.assume_multiple %mul3A_98, 8 : i32
      %lt3A_100 = arith.constant 15 : i32
      %lt3A_101 = arith.cmpi slt, %sub3A_64, %lt3A_100 : i32
      %convert_element_type3A_102 = arith.extui %lt3A_101 : i1 to i32
      %cond3A_103 = arith.constant 0 : i32
      %cond3A_104 = arith.cmpi ne, %convert_element_type3A_102, %cond3A_103 : i32
      scf.if %cond3A_104 {
        %dma_start3A = tpu.memref_slice %arg5[%rem3A_70] : memref<4x!tpu.dma_semaphore, #tpu.memory_space<semaphore_mem>> -> memref<1x!tpu.dma_semaphore, #tpu.memory_space<semaphore_mem>>
        %dma_start3A_110 = tpu.memref_squeeze %dma_start3A : memref<1x!tpu.dma_semaphore, #tpu.memory_space<semaphore_mem>> -> memref<!tpu.dma_semaphore, #tpu.memory_space<semaphore_mem>>
        %dma_start3A_111 = arith.constant 0 : i32
        %dma_start3A_112 = arith.constant 0 : i32
        %dma_start3A_113 = tpu.memref_slice %arg4[%rem3A_70, %dma_start3A_111, %dma_start3A_112] : memref<4x3200x128xf32, #tpu.memory_space<vmem>> -> memref<1x3200x128xf32, #tpu.memory_space<vmem>>
        %dma_start3A_114 = tpu.memref_squeeze %dma_start3A_113 : memref<1x3200x128xf32, #tpu.memory_space<vmem>> -> memref<3200x128xf32, #tpu.memory_space<vmem>>
        %dma_start3A_115 = arith.constant 0 : i32
        %dma_start3A_116 = tpu.memref_slice %arg2[%multiple_of3A_99, %dma_start3A_115] : memref<50000x128xf32, #tpu.memory_space<any>> -> memref<3200x128xf32, #tpu.memory_space<any>>
        tpu.enqueue_dma source(%dma_start3A_116 : memref<3200x128xf32, #tpu.memory_space<any>>) target(%dma_start3A_114 : memref<3200x128xf32, #tpu.memory_space<vmem>>) target_semaphore(%dma_start3A_110 : memref<!tpu.dma_semaphore, #tpu.memory_space<semaphore_mem>>)
      } else {
      }
      %eq3A_105 = arith.constant 15 : i32
      %eq3A_106 = arith.cmpi eq, %sub3A_64, %eq3A_105 : i32
      %convert_element_type3A_107 = arith.extui %eq3A_106 : i1 to i32
      %cond3A_108 = arith.constant 0 : i32
      %cond3A_109 = arith.cmpi ne, %convert_element_type3A_107, %cond3A_108 : i32
      scf.if %cond3A_109 {
        %dma_start3A = tpu.memref_slice %arg5[%rem3A_70] : memref<4x!tpu.dma_semaphore, #tpu.memory_space<semaphore_mem>> -> memref<1x!tpu.dma_semaphore, #tpu.memory_space<semaphore_mem>>
        %dma_start3A_110 = tpu.memref_squeeze %dma_start3A : memref<1x!tpu.dma_semaphore, #tpu.memory_space<semaphore_mem>> -> memref<!tpu.dma_semaphore, #tpu.memory_space<semaphore_mem>>
        %dma_start3A_111 = arith.constant 0 : i32
        %dma_start3A_112 = arith.constant 0 : i32
        %dma_start3A_113 = tpu.memref_slice %arg4[%rem3A_70, %dma_start3A_111, %dma_start3A_112] : memref<4x3200x128xf32, #tpu.memory_space<vmem>> -> memref<1x3128x128xf32, #tpu.memory_space<vmem>>
        %dma_start3A_114 = tpu.memref_squeeze %dma_start3A_113 : memref<1x3128x128xf32, #tpu.memory_space<vmem>> -> memref<3128x128xf32, #tpu.memory_space<vmem>>
        %dma_start3A_115 = arith.constant 0 : i32
        %dma_start3A_116 = tpu.memref_slice %arg2[%multiple_of3A_99, %dma_start3A_115] : memref<50000x128xf32, #tpu.memory_space<any>> -> memref<3128x128xf32, #tpu.memory_space<any>>
        tpu.enqueue_dma source(%dma_start3A_116 : memref<3128x128xf32, #tpu.memory_space<any>>) target(%dma_start3A_114 : memref<3128x128xf32, #tpu.memory_space<vmem>>) target_semaphore(%dma_start3A_110 : memref<!tpu.dma_semaphore, #tpu.memory_space<semaphore_mem>>)
      } else {
      }
    } else {
    }
    %mul3A = arith.constant 3125 : i32
    %mul3A_9 = arith.muli %arg0, %mul3A : i32
    %jit3A = arith.constant 8 : i32
    %div3A = arith.divsi %mul3A_9, %jit3A : i32
    %sign3A = arith.constant 0 : i32
    %sign3A_10 = arith.cmpi sgt, %mul3A_9, %sign3A : i32
    %sign3A_11 = arith.extui %sign3A_10 : i1 to i32
    %sign3A_12 = arith.constant 0 : i32
    %sign3A_13 = arith.cmpi slt, %mul3A_9, %sign3A_12 : i32
    %sign3A_14 = arith.extui %sign3A_13 : i1 to i32
    %sign3A_15 = arith.subi %sign3A_11, %sign3A_14 : i32
    %sign3A_16 = arith.constant 0 : i32
    %sign3A_17 = arith.cmpi sgt, %jit3A, %sign3A_16 : i32
    %sign3A_18 = arith.extui %sign3A_17 : i1 to i32
    %sign3A_19 = arith.constant 0 : i32
    %sign3A_20 = arith.cmpi slt, %jit3A, %sign3A_19 : i32
    %sign3A_21 = arith.extui %sign3A_20 : i1 to i32
    %sign3A_22 = arith.subi %sign3A_18, %sign3A_21 : i32
    %ne3A = arith.cmpi ne, %sign3A_15, %sign3A_22 : i32
    %rem3A_23 = arith.remsi %mul3A_9, %jit3A : i32
    %ne3A_24 = arith.constant 0 : i32
    %ne3A_25 = arith.cmpi ne, %rem3A_23, %ne3A_24 : i32
    %and3A = arith.andi %ne3A, %ne3A_25 : i1
    %sub3A_26 = arith.constant 1 : i32
    %sub3A_27 = arith.subi %div3A, %sub3A_26 : i32
    %select_n3A = arith.select %and3A, %sub3A_27, %div3A : i32
    %mul3A_28 = arith.constant 8 : i32
    %mul3A_29 = arith.muli %select_n3A, %mul3A_28 : i32
    %multiple_of3A = tpu.assume_multiple %mul3A_29, 8 : i32
    %lt3A_30 = arith.constant 15 : i32
    %lt3A_31 = arith.cmpi slt, %arg0, %lt3A_30 : i32
    %convert_element_type3A_32 = arith.extui %lt3A_31 : i1 to i32
    %cond3A_33 = arith.constant 0 : i32
    %cond3A_34 = arith.cmpi ne, %convert_element_type3A_32, %cond3A_33 : i32
    scf.if %cond3A_34 {
      %dma_wait3A = tpu.memref_slice %arg5[%rem3A_0] : memref<4x!tpu.dma_semaphore, #tpu.memory_space<semaphore_mem>> -> memref<1x!tpu.dma_semaphore, #tpu.memory_space<semaphore_mem>>
      %dma_wait3A_61 = tpu.memref_squeeze %dma_wait3A : memref<1x!tpu.dma_semaphore, #tpu.memory_space<semaphore_mem>> -> memref<!tpu.dma_semaphore, #tpu.memory_space<semaphore_mem>>
      %dma_wait3A_62 = arith.constant 0 : i32
      %dma_wait3A_63 = arith.constant 0 : i32
      %dma_wait3A_64 = tpu.memref_slice %arg4[%rem3A_0, %dma_wait3A_62, %dma_wait3A_63] : memref<4x3200x128xf32, #tpu.memory_space<vmem>> -> memref<1x3200x128xf32, #tpu.memory_space<vmem>>
      %dma_wait3A_65 = tpu.memref_squeeze %dma_wait3A_64 : memref<1x3200x128xf32, #tpu.memory_space<vmem>> -> memref<3200x128xf32, #tpu.memory_space<vmem>>
      %dma_wait3A_66 = arith.constant 0 : i32
      %dma_wait3A_67 = tpu.memref_slice %arg2[%multiple_of3A, %dma_wait3A_66] : memref<50000x128xf32, #tpu.memory_space<any>> -> memref<3200x128xf32, #tpu.memory_space<any>>
      tpu.wait_dma2 semaphore(%dma_wait3A_61 : memref<!tpu.dma_semaphore, #tpu.memory_space<semaphore_mem>>) src(%dma_wait3A_67 : memref<3200x128xf32, #tpu.memory_space<any>>) dst(%dma_wait3A_65 : memref<3200x128xf32, #tpu.memory_space<vmem>>)
    } else {
    }
    %eq3A_35 = arith.constant 15 : i32
    %eq3A_36 = arith.cmpi eq, %arg0, %eq3A_35 : i32
    %convert_element_type3A_37 = arith.extui %eq3A_36 : i1 to i32
    %cond3A_38 = arith.constant 0 : i32
    %cond3A_39 = arith.cmpi ne, %convert_element_type3A_37, %cond3A_38 : i32
    scf.if %cond3A_39 {
      %dma_wait3A = tpu.memref_slice %arg5[%rem3A_0] : memref<4x!tpu.dma_semaphore, #tpu.memory_space<semaphore_mem>> -> memref<1x!tpu.dma_semaphore, #tpu.memory_space<semaphore_mem>>
      %dma_wait3A_61 = tpu.memref_squeeze %dma_wait3A : memref<1x!tpu.dma_semaphore, #tpu.memory_space<semaphore_mem>> -> memref<!tpu.dma_semaphore, #tpu.memory_space<semaphore_mem>>
      %dma_wait3A_62 = arith.constant 0 : i32
      %dma_wait3A_63 = arith.constant 0 : i32
      %dma_wait3A_64 = tpu.memref_slice %arg4[%rem3A_0, %dma_wait3A_62, %dma_wait3A_63] : memref<4x3200x128xf32, #tpu.memory_space<vmem>> -> memref<1x3128x128xf32, #tpu.memory_space<vmem>>
      %dma_wait3A_65 = tpu.memref_squeeze %dma_wait3A_64 : memref<1x3128x128xf32, #tpu.memory_space<vmem>> -> memref<3128x128xf32, #tpu.memory_space<vmem>>
      %dma_wait3A_66 = arith.constant 0 : i32
      %dma_wait3A_67 = tpu.memref_slice %arg2[%multiple_of3A, %dma_wait3A_66] : memref<50000x128xf32, #tpu.memory_space<any>> -> memref<3128x128xf32, #tpu.memory_space<any>>
      tpu.wait_dma2 semaphore(%dma_wait3A_61 : memref<!tpu.dma_semaphore, #tpu.memory_space<semaphore_mem>>) src(%dma_wait3A_67 : memref<3128x128xf32, #tpu.memory_space<any>>) dst(%dma_wait3A_65 : memref<3128x128xf32, #tpu.memory_space<vmem>>)
    } else {
    }
    %get3A = arith.constant 0 : index
    %get3A_40 = arith.constant 0 : index
    %get3A_41 = arith.constant 0 : index
    %get3A_42 = vector.load %arg1[%get3A, %get3A_40, %get3A_41] : memref<2x3x3200xf32, #tpu.memory_space<vmem>>, vector<1x3x3200xf32>
    %get3A_43 = vector.shape_cast %get3A_42 : vector<1x3x3200xf32> to vector<3x3200xf32>
    %get3A_44 = arith.constant 1 : index
    %get3A_45 = arith.constant 0 : index
    %get3A_46 = arith.constant 0 : index
    %get3A_47 = vector.load %arg1[%get3A_44, %get3A_45, %get3A_46] : memref<2x3x3200xf32, #tpu.memory_space<vmem>>, vector<1x3x3200xf32>
    %get3A_48 = vector.shape_cast %get3A_47 : vector<1x3x3200xf32> to vector<3x3200xf32>
    %add3A_49 = arith.addf %get3A_43, %get3A_48 : vector<3x3200xf32>
    %get3A_50 = arith.index_cast %rem3A_0 : i32 to index
    %get3A_51 = arith.constant 0 : index
    %get3A_52 = arith.constant 0 : index
    %get3A_53 = vector.load %arg4[%get3A_50, %get3A_51, %get3A_52] : memref<4x3200x128xf32, #tpu.memory_space<vmem>>, vector<1x3200x128xf32>
    %get3A_54 = vector.shape_cast %get3A_53 : vector<1x3200x128xf32> to vector<3200x128xf32>
    %dot_general3A = arith.constant dense<0.000000e+00> : vector<3x128xf32>
    %dot_general3A_55 = tpu.matmul %add3A_49, %get3A_54, %dot_general3A {dimension_numbers = #tpu.dot_dimension_numbers<[1], [0], [0], [1], [0, 0, 1, 1], [], []>, transpose_lhs_hint = false} : vector<3x3200xf32>, vector<3200x128xf32>, vector<3x128xf32> -> vector<3x128xf32>
    %swap3A = arith.constant 0 : index
    %swap3A_56 = arith.constant 0 : index
    %swap3A_57 = arith.constant 0 : index
    %swap3A_58 = vector.load %arg3[%swap3A, %swap3A_56, %swap3A_57] : memref<1x3x128xf32, #tpu.memory_space<vmem>>, vector<1x3x128xf32>
    %swap3A_59 = vector.shape_cast %swap3A_58 : vector<1x3x128xf32> to vector<3x128xf32>
    %swap3A_60 = vector.shape_cast %dot_general3A_55 : vector<3x128xf32> to vector<1x3x128xf32>
    tpu.vector_store %arg3[%swap3A, %swap3A_56, %swap3A_57], %swap3A_60 {strides = array<i32>} : memref<1x3x128xf32, #tpu.memory_space<vmem>>, vector<1x3x128xf32>,
    return
  }
  func.func @transform_0(%arg0: i32) -> (i32, i32, i32) {
    %c0_i32 = arith.constant 0 : i32
    %c0_i32_0 = arith.constant 0 : i32
    %c0_i32_1 = arith.constant 0 : i32
    return %arg0, %c0_i32, %c0_i32_0 : i32, i32, i32
  }
  func.func @transform_2(%arg0: i32) -> (i32, i32, i32) {
    %c0_i32 = arith.constant 0 : i32
    %c0_i32_0 = arith.constant 0 : i32
    %c0_i32_1 = arith.constant 0 : i32
    return %arg0, %c0_i32, %c0_i32_0 : i32, i32, i32
  }
}

</mosaic_0001>

<sc_bundles>
// kernel: kernel.4.cloned.1.call-start
scs
__scs_entry_jumppad:
0x0: {  	(pc) =	sbr.rel $0x88, $3  }
0x1: {  	(tag) =	ssettag $0x0;
	lr =	simm.s32 $0x1  }
0x2: {  	[smem:$0x3F9C] =	sst lr;
	_ =	strace $0xD0000000  }
0x3: {  	_ = 	snop  }
0x4: {  	_ = 	snop  }
0x5: {  	_ = 	snop  }
0x6: {  	_ = 	snop  }
0x7: {  	_ = 	snop  }
__scs_overlays_trampoline_lowered:
0x8: {  	[smem:$0x3FAB] =	sst s0  }
0x9: {  	[smem:$0x3FAC] =	sst s1  }
0xa: {  	[smem:$0x3FAD] =	sst s2  }
0xb: {  	[smem:$0x3FAE] =	sst s3  }
0xc: {  	[smem:$0x3FAF] =	sst s4  }
0xd: {  	[smem:$0x3FB0] =	sst s5  }
0xe: {  	[smem:$0x3FB1] =	sst s6  }
0xf: {  	[smem:$0x3FB2] =	sst s7  }
0x10: {  	[smem:$0x3FB3] =	sst s8  }
0x11: {  	[smem:$0x3FB4] =	sst s9;
	s0 =	simm.s32 @!p0 $0x0  }
0x12: {  	s1 =	sld [smem:$0x3F9A];
	s0 =	simm.s32 @p0 $0x1  }
0x13: {  	[smem:$0x3FB5] =	sst s0;
	s0 =	simm.s32 @!p1 $0x0  }
0x14: {  	s2 =	sld [smem:$0x3F99];
	s0 =	simm.s32 @p1 $0x1  }
0x15: {  	[smem:$0x3FB6] =	sst s0;
	s0 =	simm.s32 @!p2 $0x0  }
0x16: {  	s3 =	sld [smem:$0x3FDB];
	s0 =	simm.s32 @p2 $0x1  }
0x17: {  	s4 =	simm.s32 $0x1BF5;
	[smem:$0x3FB8] =	sst s0  }
0x18: {  	s0 =	sld [smem:$0x3F9B];
	_ =	swait.ge [sflag:s4], $0x0  }
0x19: {  	s7 =	sld [smem:$0x3F9C]  }
0x1a: {  	s8 =	sadd.s32 $0xFFFFE003, lr  }
0x1b: {  	s9 =	sadd.s32 $0xFFFFFEF7, lr;
	s5 =	simm.s32 $0xFFFFFFFF;
	p2 =	slt.u32 s8, $0xFFFFF086  }
0x1c: {  	p1 =	slt.u32 s9, $0xF7A;
	s5 =	simm.s32 @!p2 $0x0  }
0x1d: {  	s5 =	simm.s32 @p1 $0x1;
	p0 =	seq.s32 s7, s2  }
0x1e: {  	s7 =	smul.u32 @!p0 $0xF7A, s2;
	p2 =	seq.s32 @!p0 s5, $0x0  }
0x1f: {  	s9 =	smul.u32 $0xF7A, s1;
	s8 =	simm.s32 @!p0 $0x1BF5;
	p2 =	por !p2, p0  }
0x20: {  	[sflag:s8] =	ssyncset.s32 @!p0 $0xFFFFF086;
	s6 =	sadd.s32 @!p0 s3, s7;
	s7 =	simm.s32 @!p0 $0x108  }
0x21: {  	s3 =	sadd.s32 s3, s9;
	s6 =	sadd.s32 @!p0 $0x88, s6;
	s7 =	simm.s32 @p2 $0x1082  }
0x22: {  	[simem:s7], [sflag:s8] =	dma.local @!p0 [hbm:s6], $0xF7A  }
0x23: {  	s9 =	sor.u32 $0xD0000000, s2;
	s6 =	simm.s32 $0x108;
	_ =	swait.ge @!p0 [sflag:s8], $0x0  }
0x24: {  	s3 =	sadd.s32 $0x88, s3;
	s6 =	simm.s32 @!p1 $0x1082;
	[sflag:s4] =	ssyncset.s32 $0xFFFFF086  }
0x25: {  	[simem:s6], [sflag:s4] =	dma.local [hbm:s3], $0xF7A  }
0x26: {  	[smem:$0x3F9C] =	sst s1;
	(tag) =	ssettag s2;
	_ =	strace s9  }
0x27: {  	s1 =	sld [smem:$0x3FAC]  }
0x28: {  	s2 =	sld [smem:$0x3FAD]  }
0x29: {  	s4 =	sld [smem:$0x3FAF]  }
0x2a: {  	p0 =	seq.s32 s5, $0x0;
	s5 =	sld [smem:$0x3FB0]  }
0x2b: {  	s6 =	sld [smem:$0x3FB1]  }
0x2c: {  	s7 =	sld [smem:$0x3FB2]  }
0x2d: {  	s3 =	simm.s32 $0x108;
	s8 =	sld [smem:$0x3FB3]  }
0x2e: {  	s3 =	simm.s32 @!p0 $0x1082;
	s9 =	sld [smem:$0x3FB4]  }
0x2f: {  	lr =	sadd.s32 s0, s3;
	s0 =	sld [smem:$0x3FAB]  }
0x30: {  	s3 =	sld [smem:$0x3FAE]  }
0x31: {  	[smem:$0x3FB7] =	sst s10  }
0x32: {  	s10 =	sld [smem:$0x3FB5];
	_ =	sdelay $0x3  }
0x33: {  	p0 =	seq.s32 s10, $0x1;
	s10 =	sld [smem:$0x3FB7];
	_ =	sdelay $0x3  }
0x34: {  	[smem:$0x3FB7] =	sst s10  }
0x35: {  	s10 =	sld [smem:$0x3FB6];
	_ =	sdelay $0x3  }
0x36: {  	p1 =	seq.s32 s10, $0x1;
	s10 =	sld [smem:$0x3FB7];
	_ =	sdelay $0x3  }
0x37: {  	[smem:$0x3FB7] =	sst s10  }
0x38: {  	s10 =	sld [smem:$0x3FB8]  }
0x39: {  	_ = 	snop;
	(pc) =	sbr.ind lr, $3  }
0x3a: {  	_ = 	snop  }
0x3b: {  	_ = 	snop  }
0x3c: {  	p2 =	seq.s32 s10, $0x1;
	s10 =	sld [smem:$0x3FB7]  }
0x3d: {  	_ =	shalt  }
0x3e: {  	_ =	shalt  }
0x3f: {  	_ =	shalt  }
0x40: {  	_ =	shalt  }
0x41: {  	_ =	shalt  }
0x42: {  	_ =	shalt  }
0x43: {  	_ =	shalt  }
0x44: {  	_ =	shalt  }
0x45: {  	_ =	shalt  }
0x46: {  	_ =	shalt  }
0x47: {  	_ =	shalt  }
0x48: {  	_ =	shalt  }
0x49: {  	_ =	shalt  }
0x4a: {  	_ =	shalt  }
0x4b: {  	_ =	shalt  }
0x4c: {  	_ =	shalt  }
0x4d: {  	_ =	shalt  }
0x4e: {  	_ =	shalt  }
0x4f: {  	_ =	shalt  }
0x50: {  	_ =	shalt  }
0x51: {  	_ =	shalt  }
0x52: {  	_ =	shalt  }
0x53: {  	_ =	shalt  }
0x54: {  	_ =	shalt  }
0x55: {  	_ =	shalt  }
0x56: {  	_ =	shalt  }
0x57: {  	_ =	shalt  }
0x58: {  	_ =	shalt  }
0x59: {  	_ =	shalt  }
0x5a: {  	_ =	shalt  }
0x5b: {  	_ =	shalt  }
0x5c: {  	_ =	shalt  }
0x5d: {  	_ =	shalt  }
0x5e: {  	_ =	shalt  }
0x5f: {  	_ =	shalt  }
0x60: {  	_ =	shalt  }
0x61: {  	_ =	shalt  }
0x62: {  	_ =	shalt  }
0x63: {  	_ =	shalt  }
0x64: {  	_ =	shalt  }
0x65: {  	_ =	shalt  }
0x66: {  	_ =	shalt  }
0x67: {  	_ =	shalt  }
0x68: {  	_ =	shalt  }
0x69: {  	_ =	shalt  }
0x6a: {  	_ =	shalt  }
0x6b: {  	_ =	shalt  }
0x6c: {  	_ =	shalt  }
0x6d: {  	_ =	shalt  }
0x6e: {  	_ =	shalt  }
0x6f: {  	_ =	shalt  }
0x70: {  	_ =	shalt  }
0x71: {  	_ =	shalt  }
0x72: {  	_ =	shalt  }
0x73: {  	_ =	shalt  }
0x74: {  	_ =	shalt  }
0x75: {  	_ =	shalt  }
0x76: {  	_ =	shalt  }
0x77: {  	_ =	shalt  }
0x78: {  	_ =	shalt  }
0x79: {  	_ =	shalt  }
0x7a: {  	_ =	shalt  }
0x7b: {  	_ =	shalt  }
0x7c: {  	_ =	shalt  }
0x7d: {  	_ =	shalt  }
0x7e: {  	_ =	shalt  }
0x7f: {  	_ =	shalt  }
0x80: {  	_ =	shalt  }
0x81: {  	_ =	shalt  }
0x82: {  	_ =	shalt  }
0x83: {  	_ =	shalt  }
0x84: {  	_ =	shalt  }
0x85: {  	_ =	shalt  }
0x86: {  	_ =	shalt  }
0x87: {  	_ =	shalt  }
.Lfunc_end0:
.L_simem_size_0:
called_computation_lowered:
.L_overlay_start_0:
0x88: {  	s2 =	sld [smem:$0x3FD9]  }
0x89: {  	s3 =	sld [smem:$0x3FFE];
	_ =	sdelay $0x1  }
0x8a: {  	s1 =	srdreg.scid  }
0x8b: {  	s0 =	sand.u32 $0x1, s1  }
0x8c: {  	s16 =	sshll.u32 s0, $0xA;
	s2 =	sadd.s32 s3, s2  }
0x8d: {  	s2 =	sadd.s32 s2, s16  }
0x8e: {  	[smem:$0x3FC3] =	sst s2  }
0x8f: {  	_ = 	snop  }
0x90: {  	(tm) =	ssettm $0x1  }
0x91: {  	s17 =	sld [smem:$0x3FFB];
	_ =	sdelay $0x3  }
0x92: {  	_ =	strace s17  }
0x93: {  	s2 =	sld [smem:$0x3FFC];
	_ =	sdelay $0x3  }
0x94: {  	_ =	strace s2  }
0x95: {  	s2 =	sld [smem:$0x3FFD];
	_ =	sdelay $0x3  }
0x96: {  	_ =	strace s2  }
0x97: {  	_ =	strace $0x8FFFFFFF  }
0x98: {  	s18 =	sld [smem:$0x3FDB];
	_ =	sdelay $0x1  }
0x99: {  	s19 =	simm.s32 $_scs_section_size  }
0x9a: {  	s4 =	simm.s32 $_size__tile_overlayer_lowered;
	s5 =	simm.s32 $_tile_overlayer_lowered  }
0x9b: {  	s22 =	simm.s32 $0x1BFF;
	s21 =	sshll.u32 s5, $0x1;
	s2 =	sadd.s32 s19, s18  }
0x9c: {  	s6 =	simm.s32 $0x0;
	s20 =	sshll.u32 s4, $0x1;
	s4 =	sadd.s32 s21, s2  }
0x9d: {  	[timem:s6], [sflag:s22] =	dma.local [hbm:s4], s20  }
0x9e: {  	_ =	swait.ge [sflag:s22], s20  }
0x9f: {  	s3 =	ssub.s32 $0x0, s20;
	[sflag:s22] =	ssyncset.done $0x0  }
0xa0: {  	[sflag:s22] =	ssyncadd.s32 s3;
	_ =	sdelay $0x1  }
0xa1: {  	s23 =	simm.s32 $0x1B8B  }
0xa2: {  	_ =	swait.ge [sflag:s23], $0x1  }
0xa3: {  	[sflag:s23] =	ssyncset.done $0x0  }
0xa4: {  	s25 =	simm.s32 $0x1B8E;
	s24 =	sld [smem:$0x3FFE];
	[sflag:s23] =	ssyncadd.s32 $0xFFFFFFFF  }
0xa5: {  	s26 =	simm.s32 $execute0_lowered;
	[smem:$0x3FD2] =	sst s25  }
0xa6: {  	s4 =	sshll.u32 s26, $0x1;
	_ =	strace $0x80000046;
	[dreg:$0x1] =	wrdreg $0xFFFFFFFF  }
0xa7: {  	s28 =	simm.s32 $_size_execute0_lowered;
	s2 =	sadd.s32 s2, s4;
	[dreg:$0x0] =	wrdreg $0x0  }
0xa8: {  	s4 =	sshll.u32 s28, $0x1;
	[dreg:$0x2] =	wrdreg s2  }
0xa9: {  	[dreg:$0x3] =	wrdreg s4  }
0xaa: {  	[dreg:$0x4] =	wrdreg $0xC0  }
0xab: {  	_ =	task [dreg:s6], $0x5FFFF  }
0xac: {  	[dreg:$0x1] =	wrdreg $0xFFFFFFFF  }
0xad: {  	[dreg:$0x0] =	wrdreg $0x60  }
0xae: {  	[dreg:$0x2] =	wrdreg s24  }
0xaf: {  	[dreg:$0x3] =	wrdreg $0x9  }
0xb0: {  	_ =	task.clear_ibuf [dreg:s6], $0x4FFFF;
	_ =	strace $0x90000046  }
0xb1: {  	s29 =	simm.s32 $0x9;
	_ =	strace $0x80000048  }
0xb2: {  	_ =	swait.ge [sflag:s29], $0x1  }
0xb3: {  	[sflag:s29] =	ssyncadd.s32 $0xFFFFFFFF  }
0xb4: {  	_ =	strace $0x90000048  }
0xb5: {  	_ =	sfence  }
0xb6: {  	s30 =	sld [smem:$0x0];
	_ =	sdelay $0x2  }
0xb7: {  	s31 =	sshll.u32 s1, $0xD;
	s1 =	sshrl.u32 s1, $0x2  }
0xb8: {  	s3 =	sand.u32 $0x4000, s31;
	s1 =	sadd.s32 s1, s30  }
0xb9: {  	s0 =	sor.u32 s3, s0;
	s1 =	sshll.u32 s1, $0x11  }
0xba: {  	s0 =	sor.u32 s1, s0  }
0xbb: {  	s0 =	sadd.s32 $0x8F2B, s0  }
0xbc: {  	[sflag:s0] =	ssyncadd.remote.s32 $0x1  }
0xbd: {  	_ =	sfence.sel $0xFFFF  }
0xbe: {  	[dreg:$0x0] =	wrdreg $0xFFFFFFFF;
	(pc) =	sbr.abs _section_cstart, $3  }
0xbf: {  	[dreg:$0x1] =	wrdreg $0xFFFFFFFF  }
0xc0: {  	_ =	task.clear_ibuf [dreg:s6], $0x2FFFF;
	_ =	strace $0x9FFFFFFF  }
0xc1: {  	(tm) =	ssettm $0x7FFFFFFF  }
tec
execute0_lowered:
.L_overlay_start_1:
0x0: {  	(tag) =	ssettag $0x1  }
0x1: {  	s1 =	srdreg.scid;
	s0 =	stileid.u32  }
0x2: {  	s5 =	rddreg [dreg:$0x0];
	s6 =	simm.s32 $0x1;
	s2 =	simm.s32 $0x0  }
0x3: {  	s13 =	simm.s32 $0x9300;
	s14 =	simm.s32 $0xDC80;
	s16 =	simm.s32 $0x2  }
0x4: {  	s17 =	simm.s32 $0x0;
	s4 =	sand.u32 $0x1, s1;
	s1 =	rddreg [dreg:$0x1]  }
0x5: {  	s26 =	sshll.u32 s0, $0x1;
	[smem:$0x7FF] =	sst s2;
	s7 =	sshrl.u32 s0, $0x2  }
0x6: {  	s3 =	sor.u32 s4, s26;
	p1 =	seq.s32 s4, $0x1;
	s7 =	smul.u32 $0x24C00, s7  }
0x7: {  	_ =	strace $0x80000047;
	s4 =	ssub.s32 $0x2, s4;
	p0 =	seq.s32 s3, $0x0  }
0x8: {  	s8 =	sshll.u32 s3, $0x7;
	s29 =	smul.u32 $0x640, s3;
	p0 =	por !p0, !p1  }
0x9: {  	s3 =	simm.s32 $0x1;
	s8 =	sand.u32 $0x380, s8;
	p0 =	por !p0, !p0  }
0xa: {  	s31 =	sshrl.u32 s4, $0x1;
	s7 =	sor.u32 s7, s8;
	s6 =	simm.s32 @!p0 $0x0  }
0xb: {  	s11 =	ssub.s32 s4, s31;
	s7 =	sshrl.u32 s7, $0x3;
	s6 =	ssub.s32 s0, s6  }
0xc: {  	s7 =	sadd.s32 s7, s5;
	s9 =	sshrl.u32 s6, $0x3;
	s30 =	smul.u32 $0xC35, s6  }
0xd: {  	s10 =	sshll.u32 s6, $0x7;
	s4 =	sadd.s32 $0xC00, s7;
	s9 =	smul.u32 $0x12800, s9  }
0xe: {  	s28 =	sand.u32 $0x380, s10;
	s10 =	simm.s32 $0x80;
	s6 =	sshrl.u32 s30, $0x1D  }
0xf: {  	s8 =	sor.u32 s28, s9;
	s9 =	sadd.s32 s29, s5;
	s12 =	sadd.s32 s6, s30  }
0x10: {  	s6 =	sadd.s32 $0x25800, s7;
	s8 =	sshrl.u32 s8, $0x3;
	s12 =	sand.u32 $0xFFFFFFF8, s12  }
0x11: {  	s8 =	sadd.s32 s8, s5;
	s5 =	sadd.s32 $0x13200, s7;
	s15 =	ssub.s32 s30, s12  }
0x12: {  	s12 =	simm.s32 $0x4980;
	s7 =	sadd.s32 $0x37E00, s8;
	s8 =	sadd.s32 $0x3C800, s9  }
0x13: {  	v1 =	vimm.f32 $0.0e+00;
	s9 =	smax.u32 s11, $0x1;
	s11 =	simm.s32 $0x400;
	v0 =	vmov s15;
	s15 =	simm.s32 $0x10180  }
.LBB2_1:
0x14: {  	[tilespmem:s2], [sflag:$0x1] =	stream.strided.gather [hbm4b:s4+s10], $0x4980, s11, s10, $0x38;
	[tilespmem:$0x13380] =	vst v63  }
0x15: {  	_ = 	snop  }
0x16: {  	[tilespmem:s12], [sflag:$0x1] =	stream.strided.gather [hbm4b:s5+s10], $0x4980, s11, s10, $0x38;
	[tilespmem:$0x13380] =	vst v63  }
0x17: {  	_ = 	snop  }
0x18: {  	[tilespmem:s13], [sflag:$0x1] =	stream.strided.gather [hbm4b:s6+s10], $0x4980, s11, s10, $0x38;
	[tilespmem:$0x13380] =	vst v63  }
0x19: {  	s18 =	simm.s32 $0x101C0  }
0x1a: {  	[tilespmem:s14], [sflag:$0x1] =	stream.strided.gather [hbm4b:s7+s10], $0x2500, s11, s10, $0x38;
	[tilespmem:$0x13380] =	vst v63  }
0x1b: {  	[tilespmem:s18+$0xFFFFFFC0] =	vst v1  }
0x1c: {  	[tilespmem:s18+$0x30] =	vst v1  }
0x1d: {  	[tilespmem:s18+$0x20] =	vst v1  }
0x1e: {  	[tilespmem:s18+$0x10] =	vst v1  }
0x1f: {  	[tilespmem:s18+$0x0] =	vst v1  }
0x20: {  	[tilespmem:s18+$0xFFFFFFF0] =	vst v1  }
0x21: {  	s20 =	simm.s32 $0x0;
	[tilespmem:s18+$0xFFFFFFE0] =	vst v1  }
.LBB2_2:
0x22: {  	s20 =	sadd.s32 $0x8, s20;
	[tilespmem:s18+$0xFFFFFFD0] =	vst v1;
	s18 =	sadd.s32 $0x200, s18;
	s19 =	simm.s32 $0x10270  }
0x23: {  	[tilespmem:s18+$0xFFFFFFC0] =	vst v1;
	p0 =	slt.u32 s20, $0xC0  }
0x24: {  	[tilespmem:s18+$0x30] =	vst v1  }
.Ltmp0:
0x25: {  	[tilespmem:s18+$0x20] =	vst v1;
	(pc) =	sbr.rel @p0 .LBB2_2-.Ltmp0, $4  }
0x26: {  	[tilespmem:s18+$0x10] =	vst v1  }
0x27: {  	[tilespmem:s18+$0x0] =	vst v1  }
0x28: {  	[tilespmem:s18+$0xFFFFFFF0] =	vst v1  }
0x29: {  	[tilespmem:s18+$0xFFFFFFE0] =	vst v1  }
0x2a: {  	[tilespmem:s18+$0xFFFFFFD0] =	vst v1  }
0x2b: {  	[tilespmem:s19+$0xFFFFFF90] =	vst v1  }
0x2c: {  	[tilespmem:s19+$0x0] =	vst v1  }
0x2d: {  	[tilespmem:s19+$0xFFFFFFF0] =	vst v1  }
0x2e: {  	[tilespmem:s19+$0xFFFFFFE0] =	vst v1  }
0x2f: {  	[tilespmem:s19+$0xFFFFFFD0] =	vst v1  }
0x30: {  	[tilespmem:s19+$0xFFFFFFC0] =	vst v1  }
0x31: {  	s20 =	simm.s32 $0x0;
	s18 =	simm.s32 $0x102F0;
	[tilespmem:s19+$0xFFFFFFB0] =	vst v1  }
.LBB2_4:
0x32: {  	s20 =	sadd.s32 $0x8, s20;
	[tilespmem:s19+$0xFFFFFFA0] =	vst v1;
	s19 =	sadd.s32 $0x200, s19  }
0x33: {  	[tilespmem:s19+$0xFFFFFF90] =	vst v1;
	p0 =	slt.u32 s20, $0xC0  }
0x34: {  	[tilespmem:s19+$0x0] =	vst v1  }
.Ltmp1:
0x35: {  	[tilespmem:s19+$0xFFFFFFF0] =	vst v1;
	(pc) =	sbr.rel @p0 .LBB2_4-.Ltmp1, $4  }
0x36: {  	[tilespmem:s19+$0xFFFFFFE0] =	vst v1  }
0x37: {  	[tilespmem:s19+$0xFFFFFFD0] =	vst v1  }
0x38: {  	[tilespmem:s19+$0xFFFFFFC0] =	vst v1  }
0x39: {  	[tilespmem:s19+$0xFFFFFFB0] =	vst v1  }
0x3a: {  	[tilespmem:s19+$0xFFFFFFA0] =	vst v1  }
0x3b: {  	[tilespmem:s18+$0xFFFFFF90] =	vst v1  }
0x3c: {  	[tilespmem:s18+$0x0] =	vst v1  }
0x3d: {  	[tilespmem:s18+$0xFFFFFFF0] =	vst v1  }
0x3e: {  	[tilespmem:s18+$0xFFFFFFE0] =	vst v1  }
0x3f: {  	[tilespmem:s18+$0xFFFFFFD0] =	vst v1  }
0x40: {  	[tilespmem:s18+$0xFFFFFFC0] =	vst v1  }
0x41: {  	s19 =	simm.s32 $0x0;
	[tilespmem:s18+$0xFFFFFFB0] =	vst v1  }
.LBB2_6:
0x42: {  	s19 =	sadd.s32 $0x8, s19;
	[tilespmem:s18+$0xFFFFFFA0] =	vst v1;
	s18 =	sadd.s32 $0x200, s18  }
0x43: {  	[tilespmem:s18+$0xFFFFFF90] =	vst v1;
	p0 =	slt.u32 s19, $0xC0  }
0x44: {  	[tilespmem:s18+$0x0] =	vst v1  }
.Ltmp2:
0x45: {  	[tilespmem:s18+$0xFFFFFFF0] =	vst v1;
	(pc) =	sbr.rel @p0 .LBB2_6-.Ltmp2, $4  }
0x46: {  	[tilespmem:s18+$0xFFFFFFE0] =	vst v1  }
0x47: {  	[tilespmem:s18+$0xFFFFFFD0] =	vst v1  }
0x48: {  	[tilespmem:s18+$0xFFFFFFC0] =	vst v1  }
0x49: {  	[tilespmem:s18+$0xFFFFFFB0] =	vst v1  }
0x4a: {  	[tilespmem:s18+$0xFFFFFFA0] =	vst v1  }
0x4b: {  	_ =	swait.ge [sflag:s3], $0x4980  }
0x4c: {  	[sflag:s3] =	ssyncset.done $0x0  }
0x4d: {  	[sflag:s3] =	ssyncadd.s32 $0xFFFFB680  }
0x4e: {  	_ =	swait.ge [sflag:s3], $0x4980  }
0x4f: {  	[sflag:s3] =	ssyncset.done $0x0  }
0x50: {  	[sflag:s3] =	ssyncadd.s32 $0xFFFFB680  }
0x51: {  	_ =	swait.ge [sflag:s3], $0x4980  }
0x52: {  	[sflag:s3] =	ssyncset.done $0x0  }
0x53: {  	[sflag:s3] =	ssyncadd.s32 $0xFFFFB680  }
0x54: {  	_ =	swait.ge [sflag:s3], $0x2500  }
0x55: {  	[sflag:s3] =	ssyncset.done $0x0  }
0x56: {  	s31 =	simm.s32 $0x20;
	[sflag:s3] =	ssyncadd.s32 $0xFFFFDB00  }
0x57: {  	v2 =	vld [tilespmem:s31+$0x10];
	_ =	sdelay $0x3  }
0x58: {  	v3 =	vld [tilespmem:s31+$0xFFFFFFF0]  }
0x59: {  	v4 =	vld [tilespmem:s31+$0xFFFFFFE0]  }
0x5a: {  	s19 =	simm.s32 $0x49A0;
	v5 =	vld [tilespmem:s31+$0x0]  }
0x5b: {  	v7 =	vld [tilespmem:s19+$0x10]  }
0x5c: {  	v6 =	vld.idx.msk [tilespmem:v2+s14+$0x0], $0xffff;
	_ =	sdelay $0x2  }
0x5d: {  	v8 =	vld [tilespmem:s19+$0xFFFFFFF0]  }
0x5e: {  	v3 =	vld.idx.msk [tilespmem:v3+s14+$0x0], $0xffff  }
0x5f: {  	v7 =	vadd.s32 v0, v7;
	v4 =	vld.idx.msk [tilespmem:v4+s14+$0x0], $0xffff;
	v9 =	vshrl.u32 v6, $0x2  }
0x60: {  	v11 =	vshll.u32 v7, $0x2;
	v2 =	vld.idx.msk [tilespmem:v5+s14+$0x0], $0xffff;
	v10 =	vmul.u32 $0x3200, v9  }
0x61: {  	v11 =	vand.u32 $0xFFFFFE00, v11;
	v5 =	vld [tilespmem:s19+$0xFFFFFFE0]  }
0x62: {  	v13 =	vadd.s32 v11, v10;
	v10 =	vld [tilespmem:s19+$0x0]  }
0x63: {  	v6 =	vshll.u32 v6, $0x7  }
0x64: {  	v14 =	vand.u32 $0x7F, v7;
	v12 =	vshrl.u32 v4, $0x2;
	v6 =	vand.u32 $0x180, v6  }
0x65: {  	s18 =	simm.s32 $0x9320;
	v9 =	vshrl.u32 v3, $0x2;
	v11 =	vshrl.u32 v2, $0x2;
	v13 =	vor.u32 v6, v13  }
0x66: {  	s20 =	simm.s32 $0x0;
	s21 =	simm.s32 $0x60;
	v7 =	vld [tilespmem:s18+$0x10];
	v6 =	vadd.s32 v0, v5;
	v5 =	vadd.s32 v0, v8;
	v8 =	vor.u32 v14, v13  }
.LBB2_8:
0x67: {  	v13 =	vld [tilespmem:s21+$0x10];
	s20 =	sadd.s32 $0x4, s20;
	v12 =	vmul.u32 $0x3200, v12;
	v9 =	vmul.u32 $0x3200, v9;
	v10 =	vadd.s32 v0, v10  }
0x68: {  	v15 =	vshll.u32 v6, $0x2;
	v16 =	vshll.u32 v5, $0x2;
	v11 =	vmul.u32 $0x3200, v11;
	v14 =	vld [tilespmem:s21+$0xFFFFFFF0];
	p0 =	slt.u32 s20, $0x490  }
0x69: {  	v4 =	vshll.u32 v4, $0x7;
	v3 =	vshll.u32 v3, $0x7;
	v18 =	vshll.u32 v10, $0x2;
	v17 =	vld [tilespmem:s21+$0x0]  }
0x6a: {  	v2 =	vshll.u32 v2, $0x7;
	v15 =	vand.u32 $0xFFFFFE00, v15;
	v16 =	vand.u32 $0xFFFFFE00, v16;
	v19 =	vld [tilespmem:s21+$0xFFFFFFE0]  }
0x6b: {  	v12 =	vadd.s32 v15, v12;
	v9 =	vadd.s32 v16, v9;
	v15 =	vand.u32 $0xFFFFFE00, v18;
	[tilespmem:v8+s15+$0x0] =	vst.idx.add.f32.msk $0xffff, v7  }
0x6c: {  	v4 =	vand.u32 $0x180, v4;
	v3 =	vand.u32 $0x180, v3;
	v8 =	vadd.s32 v15, v11;
	v7 =	vld [tilespmem:s18+$0xFFFFFFE0]  }
0x6d: {  	v2 =	vand.u32 $0x180, v2;
	v4 =	vor.u32 v4, v12;
	v3 =	vor.u32 v3, v9;
	v11 =	vld [tilespmem:s18+$0xFFFFFFF0]  }
0x6e: {  	v6 =	vand.u32 $0x7F, v6;
	v5 =	vand.u32 $0x7F, v5;
	v2 =	vor.u32 v2, v8;
	v15 =	vld [tilespmem:s18+$0x0]  }
0x6f: {  	s19 =	sadd.s32 $0x40, s19;
	v6 =	vor.u32 v6, v4;
	v5 =	vor.u32 v5, v3;
	v3 =	vand.u32 $0x7F, v10;
	v8 =	vld.idx.msk [tilespmem:v13+s14+$0x0], $0xffff  }
0x70: {  	v13 =	vor.u32 v3, v2;
	v9 =	vld [tilespmem:s19+$0x10]  }
0x71: {  	v3 =	vld.idx.msk [tilespmem:v14+s14+$0x0], $0xffff  }
0x72: {  	v4 =	vld.idx.msk [tilespmem:v19+s14+$0x0], $0xffff  }
0x73: {  	v2 =	vld.idx.msk [tilespmem:v17+s14+$0x0], $0xffff  }
0x74: {  	v14 =	vld [tilespmem:s19+$0xFFFFFFE0]  }
0x75: {  	v16 =	vld [tilespmem:s19+$0xFFFFFFF0];
	v17 =	vadd.s32 v0, v9;
	v9 =	vshrl.u32 v8, $0x2  }
.Ltmp3:
0x76: {  	v10 =	vld [tilespmem:s19+$0x0];
	v18 =	vmul.u32 $0x3200, v9;
	v12 =	vshll.u32 v17, $0x2;
	(pc) =	sbr.rel @p0 .LBB2_8-.Ltmp3, $4  }
0x77: {  	v8 =	vshll.u32 v8, $0x7;
	v9 =	vshrl.u32 v3, $0x2;
	v19 =	vand.u32 $0xFFFFFE00, v12;
	[tilespmem:v6+s15+$0x0] =	vst.idx.add.f32.msk $0xffff, v7  }
0x78: {  	v12 =	vshrl.u32 v4, $0x2;
	v7 =	vand.u32 $0x180, v8;
	v6 =	vadd.s32 v19, v18;
	[tilespmem:v5+s15+$0x0] =	vst.idx.add.f32.msk $0xffff, v11  }
0x79: {  	s18 =	sadd.s32 $0x40, s18;
	v8 =	vand.u32 $0x7F, v17;
	v11 =	vshrl.u32 v2, $0x2;
	v17 =	vor.u32 v7, v6;
	[tilespmem:v13+s15+$0x0] =	vst.idx.add.f32.msk $0xffff, v15  }
0x7a: {  	s21 =	sadd.s32 $0x40, s21;
	v6 =	vadd.s32 v0, v14;
	v5 =	vadd.s32 v0, v16;
	v7 =	vld [tilespmem:s18+$0x10];
	v8 =	vor.u32 v8, v17  }
0x7b: {  	v12 =	vmul.u32 $0x3200, v12;
	v9 =	vmul.u32 $0x3200, v9;
	v10 =	vadd.s32 v0, v10  }
0x7c: {  	v13 =	vshll.u32 v6, $0x2;
	v14 =	vshll.u32 v5, $0x2;
	v11 =	vmul.u32 $0x3200, v11  }
0x7d: {  	v4 =	vshll.u32 v4, $0x7;
	v3 =	vshll.u32 v3, $0x7;
	v2 =	vshll.u32 v2, $0x7  }
0x7e: {  	v58 =	vand.u32 $0x7F, v6;
	v60 =	vand.u32 $0x7F, v5;
	v15 =	vshll.u32 v10, $0x2  }
0x7f: {  	v13 =	vand.u32 $0xFFFFFE00, v13;
	v14 =	vand.u32 $0xFFFFFE00, v14;
	v4 =	vand.u32 $0x180, v4  }
0x80: {  	v3 =	vand.u32 $0x180, v3;
	v2 =	vand.u32 $0x180, v2;
	v12 =	vadd.s32 v13, v12  }
0x81: {  	v9 =	vadd.s32 v14, v9;
	v57 =	vand.u32 $0xFFFFFE00, v15;
	v4 =	vor.u32 v4, v12  }
0x82: {  	v59 =	vld [tilespmem:s18+$0xFFFFFFE0];
	v11 =	vadd.s32 v57, v11;
	v3 =	vor.u32 v3, v9;
	v4 =	vor.u32 v58, v4  }
0x83: {  	v61 =	vld [tilespmem:s18+$0xFFFFFFF0];
	v62 =	vand.u32 $0x7F, v10;
	v2 =	vor.u32 v2, v11;
	v3 =	vor.u32 v60, v3  }
0x84: {  	v63 =	vld [tilespmem:s18+$0x0];
	v2 =	vor.u32 v62, v2;
	_ =	sdelay $0x1  }
0x85: {  	[tilespmem:v8+s15+$0x0] =	vst.idx.add.f32.msk $0xffff, v7  }
0x86: {  	s17 =	sadd.s32 $0x1, s17;
	[tilespmem:v4+s15+$0x0] =	vst.idx.add.f32.msk $0xffff, v59  }
0x87: {  	p0 =	sne.s32 s17, s9;
	[tilespmem:v3+s15+$0x0] =	vst.idx.add.f32.msk $0xffff, v61  }
.Ltmp4:
0x88: {  	[tilespmem:v2+s15+$0x0] =	vst.idx.add.f32.msk $0xffff, v63;
	(pc) =	sbr.rel @p0 .LBB2_1-.Ltmp4, $4  }
0x89: {  	[hbm4b:s8+s2] =	stream.linear.scatter [tilespmem:s15], [sflag:$0x2], $0x3200, $0x38;
	[tilespmem:$0x13380] =	vst v63  }
0x8a: {  	_ =	swait.ge [sflag:s16], $0x3200  }
0x8b: {  	[sflag:s16] =	ssyncset.done $0x0  }
0x8c: {  	[sflag:s16] =	ssyncadd.s32 $0xFFFFCE00  }
0x8d: {  	_ =	sfence.sel $0x180000  }
0x8e: {  	[bflag:$0x0] =	sbarrier.arrive $0xFFFF  }
0x8f: {  	p0 =	sne.s32 s0, $0x0;
	_ =	strace $0x90000047  }
0x90: {  	s0 =	sadd.s32 @!p0 $0x100000, s1;
	[bflag:$0x2] =	sbarrier.arrive $0xFFFF  }
0x91: {  	[sflag:s0] =	ssyncadd.tile.s32 @!p0 $0x1;
	_ =	shalt  }
.Lfunc_end2:
_tile_overlayer_lowered:
.L_overlay_start_2:
0x92: {  	(tag) =	ssettag $0x2  }
0x93: {  	s0 =	rddreg [dreg:$0x0];
	s2 =	stileid.u32  }
0x94: {  	s1 =	rddreg [dreg:$0x1];
	p0 =	sne.s32 s2, $0x0  }
0x95: {  	s3 =	rddreg [dreg:$0x2];
	[bflag:$0x3] =	sbarrier.arrive $0xFFFF;
	s2 =	simm.s32 @!p0 $0x1C02  }
0x96: {  	[timem:s3], [sflag:s2] =	dma.local @!p0 [hbm:s0], s1  }
0x97: {  	s0 =	simm.s32 @!p0 $0x2  }
0x98: {  	_ =	swait.ge @!p0 [sflag:s0], s1  }
0x99: {  	s1 =	ssub.s32 @!p0 $0x0, s1;
	[sflag:s0] =	ssyncset.done @!p0 $0x0  }
0x9a: {  	[sflag:s0] =	ssyncadd.s32 @!p0 s1  }
0x9b: {  	[bflag:$0x3] =	sbarrier.arrive $0xFFFF  }
0x9c: {  	_ =	shalt  }

</sc_bundles>
